<compile_context>
chip_gen: v7x
topology: tpu7x:2x2x1
jax: 0.10.2.dev20260603
libtpu: 0.0.44.dev20260713+nightly
codegen_flags: <defaults>
</compile_context>

<pallas_src>
import functools

import jax
import jax.numpy as jnp
from jax import lax
from jax.experimental import pallas as pl
from jax.experimental.pallas import tpu as pltpu
from jax.experimental.pallas import tpu_sc as plsc

_NO_PATCHES = 14
_P = _NO_PATCHES * _NO_PATCHES
_PATCH = 16
_HW = _NO_PATCHES * _PATCH
_NV = 13
_ROW = 224
_CHUNKS = ((0, 4), (4, 3), (7, 3), (10, 3))


def _sc_rank_kernel(scores_hbm, out_hbm, row_v, stage_v):
    wid = lax.axis_index("s") * 2 + lax.axis_index("c")
    batch = wid // 4
    chunk = wid % 4
    pltpu.sync_copy(scores_hbm.at[pl.ds(batch * _ROW, _ROW)], row_v)
    num = row_v[pl.ds(_NV * 16, 16)]

    for ck, (p0, np_) in enumerate(_CHUNKS):
        @pl.when(chunk == ck)
        def _(p0=p0, np_=np_):
            p_vecs = [row_v[pl.ds((p0 + i) * 16, 16)] for i in range(np_)]
            p_lane = [
                lax.iota(jnp.int32, 16) + (p0 + i) * 16 for i in range(np_)
            ]
            zeros = jnp.zeros((16,), jnp.float32)

            def q_body(q, cnts):
                vq = row_v[pl.ds(q * 16, 16)]
                new = list(cnts)
                for r in range(16):
                    qb = vq.at[jnp.full((16,), r, jnp.int32)].get(
                        mode="promise_in_bounds"
                    )
                    q_glob = jnp.full((16,), q * 16 + r, jnp.int32)
                    for i in range(np_):
                        beats = (qb > p_vecs[i]) | (
                            (qb == p_vecs[i]) & (q_glob < p_lane[i])
                        )
                        new[i] = new[i] + jnp.where(beats, 1.0, 0.0)
                return tuple(new)

            cnts = tuple([zeros] * np_)
            for i in range(np_):
                stage_v[pl.ds(i * 16, 16)] = jnp.where(
                    cnts[i] >= num, jnp.float32(1.0), jnp.float32(0.0)
                )
            pltpu.sync_copy(
                stage_v.at[pl.ds(0, np_ * 16)],
                out_hbm.at[pl.ds(batch * _ROW + p0 * 16, np_ * 16)],
            )


def _sc_rank(scores_padded):
    mesh = plsc.VectorSubcoreMesh(core_axis_name="c", subcore_axis_name="s")
    k = functools.partial(
        pl.kernel,
        mesh=mesh,
        out_type=jax.ShapeDtypeStruct((8 * _ROW,), jnp.float32),
        scratch_types=[
            pltpu.VMEM((_ROW,), jnp.float32),
            pltpu.VMEM((64,), jnp.float32),
        ],
    )(_sc_rank_kernel)
    return k(scores_padded)


def _mul_kernel(x_ref, m_ref, o_ref, mfull_ref):
    j = pl.program_id(1)

    @pl.when(j == 0)
    def _():
        m = m_ref[0, 0]
        pidx = lax.broadcasted_iota(jnp.int32, (_ROW, _ROW), 1)
        m_clean = jnp.where(
            lax.broadcasted_iota(jnp.int32, (_ROW,), 0) < _P, m, 0.0
        )
        ii = lax.broadcasted_iota(jnp.int32, (_ROW, _ROW), 0) // _PATCH
        V = (pidx // _NO_PATCHES == ii).astype(jnp.float32)
        pm = pidx - _NO_PATCHES * (pidx // _NO_PATCHES)
        pidx0 = lax.broadcasted_iota(jnp.int32, (_ROW, _ROW), 0)
        pm0 = pidx0 - _NO_PATCHES * (pidx0 // _NO_PATCHES)
        jj = lax.broadcasted_iota(jnp.int32, (_ROW, _ROW), 1) // _PATCH
        U = (pm0 == jj).astype(jnp.float32)
        scaled = V * m_clean[None, :]
        mfull_ref[...] = jnp.dot(scaled, U, preferred_element_type=jnp.float32)

    o_ref[...] = x_ref[...] * mfull_ref[...][None, None]


def kernel(x, percentage, probabilities):
    b, c, H, W = x.shape
    key = jax.random.key(42)
    u = jax.random.uniform(key, probabilities.shape, minval=1e-20, maxval=1.0)
    gumbel = -jnp.log(-jnp.log(u))
    scores = jnp.log(probabilities) + gumbel

    pct = percentage.astype(jnp.float32)
    p_eff = jnp.where(pct == 0.0, jnp.float32(0.0),
                      jnp.maximum(pct, jnp.float32(0.07)))
    num = jnp.floor(p_eff * jnp.float32(_P))
    scores_padded = jnp.concatenate(
        [
            scores,
            jnp.full((b, _NV * 16 - _P), -jnp.inf, jnp.float32),
            jnp.broadcast_to(num, (b, 16)),
        ],
        axis=1,
    )

    mask_bp = _sc_rank(scores_padded.reshape(-1))
    mask_bp3 = mask_bp.reshape(b, 1, _ROW)

    CC = 32
    out = pl.pallas_call(
        _mul_kernel,
        out_shape=jax.ShapeDtypeStruct(x.shape, x.dtype),
        grid=(b, c // CC),
        in_specs=[
            pl.BlockSpec((1, CC, H, W), lambda i, j: (i, j, 0, 0)),
            pl.BlockSpec((1, 1, _ROW), lambda i, j: (i, 0, 0)),
        ],
        out_specs=pl.BlockSpec((1, CC, H, W), lambda i, j: (i, j, 0, 0)),
        scratch_shapes=[pltpu.VMEM((_HW, _HW), jnp.float32)],
    )(x, mask_bp3)
    return out

# --- scband reference (transcript-rebuilt; emitter-appended) ---
"""Pipeline reference for scband-mask-in-59605556134660 (READ-ONLY COPY).

The authoritative reference and input builder live on the scoring server;
editing this copy changes nothing except your own understanding.
"""

import jax, jax.numpy as jnp
import numpy as np

NO_PATCHES = 14
LENGTH_INDEXES = NO_PATCHES ** 2


def setup_inputs(seed: int = 0) -> dict:
    key = jax.random.key(seed)
    k1, k2, k3 = jax.random.split(key, 3)
    x = jax.random.normal(k1, (8, 96, 224, 224), dtype=jnp.float32)
    percentage = jax.random.uniform(k2, (), dtype=jnp.float32)
    probabilities = jax.random.uniform(k3, (8, LENGTH_INDEXES), dtype=jnp.float32)
    return {"x": x, "percentage": percentage, "probabilities": probabilities}


def _sample_mask_indexes(probabilities, num_samples):
    # torch.multinomial(probabilities, num_samples, replacement=False)
    # == Gumbel top-k over log-probabilities (exact equivalence).
    key = jax.random.key(42)
    u = jax.random.uniform(key, probabilities.shape, minval=1e-20, maxval=1.0)
    gumbel = -jnp.log(-jnp.log(u))
    scores = jnp.log(probabilities) + gumbel
    _, idx = jax.lax.top_k(scores, num_samples)
    return idx


def reference(x, percentage, probabilities):
    # Faithful port of MaskIn.forward in training mode.
    p_eff = jnp.where(percentage == 0.0, jnp.float32(0.0),
                      jnp.maximum(percentage, jnp.float32(0.07)))
    num_samples = jnp.floor(p_eff * LENGTH_INDEXES).astype(jnp.int32)
    b, c, H, W = x.shape
    w = H // NO_PATCHES
    h = W // NO_PATCHES
    # Full ranking over all patch slots (static size); the first num_samples
    # entries of this ranking are exactly the original multinomial draw.
    mask_indexes = _sample_mask_indexes(probabilities, LENGTH_INDEXES)  # [b, p]
    # unfold: b c (p1 w) (p2 h) -> b c (p1 p2) w h
    x_unfold = x.reshape(b, c, NO_PATCHES, w, NO_PATCHES, h)
    x_unfold = x_unfold.transpose(0, 1, 2, 4, 3, 5).reshape(b, c, LENGTH_INDEXES, w, h)
    # mask is constant across (c, w, h) for a given (batch, patch) slot;
    # torch builds ones_like(x), rearranges to [b, p, c, w, h] and zeros whole
    # [c, w, h] slabs via scatter-overwrite. Build the [b, p] mask and broadcast.
    rank_vals = jnp.where(jnp.arange(LENGTH_INDEXES) < num_samples,
                          jnp.asarray(0.0, dtype=x.dtype),
                          jnp.asarray(1.0, dtype=x.dtype))
    mask_bp = jnp.ones((b, LENGTH_INDEXES), dtype=x.dtype)
    mask_bp = mask_bp.at[jnp.arange(b)[:, None], mask_indexes].set(
        jnp.broadcast_to(rank_vals, (b, LENGTH_INDEXES)))
    mask = mask_bp[:, None, :, None, None]  # [b, 1, p, 1, 1]
    x_masked = x_unfold * mask
    # fold: b c (p1 p2) w h -> b c (p1 w) (p2 h)
    out = x_masked.reshape(b, c, NO_PATCHES, NO_PATCHES, w, h)
    out = out.transpose(0, 1, 2, 4, 3, 5).reshape(b, c, H, W)
    return out

if __name__ == "__main__":
    import jax
    _d = setup_inputs()
    print(jax.jit(kernel)(*tuple(_d.values())))

</pallas_src>

<mosaic_0001>
#map = affine_map<(d0, d1) -> (0)>
module attributes {stable_mosaic.version = 14 : i64} {
  func.func @_sc_rank_kernel(%arg0: i32, %arg1: i32, %arg2: memref<1792xf32, #tpu.memory_space<hbm>>, %arg3: memref<1792xf32, #tpu.memory_space<hbm>>, %arg4: memref<224xf32, #tpu.memory_space<vmem>>, %arg5: memref<64xf32, #tpu.memory_space<vmem>>) attributes {dimension_semantics = [#tpu.dimension_semantics<core_parallel>, #tpu.dimension_semantics<subcore_parallel>], iteration_bounds = array<i64: 2, 16>, scalar_prefetch = 0 : i64, scratch_operands = 2 : i64, tpu.core_type = #tpu.core_type<sc_vector_subcore>, window_params = [{transform_indices = #map}, {transform_indices = #map}]} {
    %mul3A = arith.constant 2 : i32
    %mul3A_0 = arith.muli %arg1, %mul3A : i32
    %add3A = arith.addi %mul3A_0, %arg0 : i32
    %jit3A = arith.constant 4 : i32
    %div3A = arith.divsi %add3A, %jit3A : i32
    %sign3A = arith.constant 0 : i32
    %sign3A_1 = arith.cmpi sgt, %add3A, %sign3A : i32
    %sign3A_2 = arith.extui %sign3A_1 : i1 to i32
    %sign3A_3 = arith.constant 0 : i32
    %sign3A_4 = arith.cmpi slt, %add3A, %sign3A_3 : i32
    %sign3A_5 = arith.extui %sign3A_4 : i1 to i32
    %sign3A_6 = arith.subi %sign3A_2, %sign3A_5 : i32
    %sign3A_7 = arith.constant 0 : i32
    %sign3A_8 = arith.cmpi sgt, %jit3A, %sign3A_7 : i32
    %sign3A_9 = arith.extui %sign3A_8 : i1 to i32
    %sign3A_10 = arith.constant 0 : i32
    %sign3A_11 = arith.cmpi slt, %jit3A, %sign3A_10 : i32
    %sign3A_12 = arith.extui %sign3A_11 : i1 to i32
    %sign3A_13 = arith.subi %sign3A_9, %sign3A_12 : i32
    %ne3A = arith.cmpi ne, %sign3A_6, %sign3A_13 : i32
    %rem3A = arith.remsi %add3A, %jit3A : i32
    %ne3A_14 = arith.constant 0 : i32
    %ne3A_15 = arith.cmpi ne, %rem3A, %ne3A_14 : i32
    %and3A = arith.andi %ne3A, %ne3A_15 : i1
    %sub3A = arith.constant 1 : i32
    %sub3A_16 = arith.subi %div3A, %sub3A : i32
    %select_n3A = arith.select %and3A, %sub3A_16, %div3A : i32
    %jit3A_17 = arith.constant 4 : i32
    %eq3A = arith.constant 0 : i32
    %eq3A_18 = arith.cmpi eq, %jit3A_17, %eq3A : i32
    %jit3A_19 = arith.constant 1 : i32
    %select_n3A_20 = arith.select %eq3A_18, %jit3A_19, %jit3A_17 : i32
    %rem3A_21 = arith.remsi %add3A, %select_n3A_20 : i32
    %ne3A_22 = arith.constant 0 : i32
    %ne3A_23 = arith.cmpi ne, %rem3A_21, %ne3A_22 : i32
    %lt3A = arith.constant 0 : i32
    %lt3A_24 = arith.cmpi slt, %rem3A_21, %lt3A : i32
    %lt3A_25 = arith.constant 0 : i32
    %lt3A_26 = arith.cmpi slt, %select_n3A_20, %lt3A_25 : i32
    %ne3A_27 = arith.xori %lt3A_24, %lt3A_26 : i1
    %and3A_28 = arith.andi %ne3A_27, %ne3A_23 : i1
    %add3A_29 = arith.addi %rem3A_21, %select_n3A_20 : i32
    %select_n3A_30 = arith.select %and3A_28, %add3A_29, %rem3A_21 : i32
    %mul3A_31 = arith.constant 224 : i32
    %mul3A_32 = arith.muli %select_n3A, %mul3A_31 : i32
    "tpu.region"() ({
      %run_scoped3A = tpu.sem_alloc : memref<!tpu.dma_semaphore, #tpu.memory_space<semaphore_mem>>
      %dma_start3A = tpu.memref_slice %arg2[%mul3A_32] : memref<1792xf32, #tpu.memory_space<hbm>> -> memref<224xf32, #tpu.memory_space<hbm>>
      %dma_start3A_53 = tpu.memref_slice %arg2[%mul3A_32] : memref<1792xf32, #tpu.memory_space<hbm>> -> memref<224xf32, #tpu.memory_space<hbm>>
      tpu.enqueue_dma source(%dma_start3A_53 : memref<224xf32, #tpu.memory_space<hbm>>) target(%arg4 : memref<224xf32, #tpu.memory_space<vmem>>) target_semaphore(%run_scoped3A : memref<!tpu.dma_semaphore, #tpu.memory_space<semaphore_mem>>)
      %dma_wait3A = tpu.memref_slice %arg2[%mul3A_32] : memref<1792xf32, #tpu.memory_space<hbm>> -> memref<224xf32, #tpu.memory_space<hbm>>
      %dma_wait3A_54 = tpu.memref_slice %arg2[%mul3A_32] : memref<1792xf32, #tpu.memory_space<hbm>> -> memref<224xf32, #tpu.memory_space<hbm>>
      tpu.wait_dma2 semaphore(%run_scoped3A : memref<!tpu.dma_semaphore, #tpu.memory_space<semaphore_mem>>) src(%dma_wait3A_54 : memref<224xf32, #tpu.memory_space<hbm>>) dst(%arg4 : memref<224xf32, #tpu.memory_space<vmem>>)
      tpu.yield
    }) : () -> ()
    %get3A = arith.constant 208 : index
    %get3A_33 = tpu.vector_load %arg4[%get3A] {strides = array<i32>} : memref<224xf32, #tpu.memory_space<vmem>>, vector<16xf32>,
    %get3A_34 = vector.shape_cast %get3A_33 : vector<16xf32> to vector<16xf32>
    %eq3A_35 = arith.constant 0 : i32
    %eq3A_36 = arith.cmpi eq, %select_n3A_30, %eq3A_35 : i32
    %convert_element_type3A = arith.extui %eq3A_36 : i1 to i32
    %cond3A = arith.constant 0 : i32
    %cond3A_37 = arith.cmpi ne, %convert_element_type3A, %cond3A : i32
    scf.if %cond3A_37 {
      %get3A_53 = arith.constant 0 : index
      %get3A_54 = tpu.vector_load %arg4[%get3A_53] {strides = array<i32>} : memref<224xf32, #tpu.memory_space<vmem>>, vector<16xf32>,
      %get3A_55 = vector.shape_cast %get3A_54 : vector<16xf32> to vector<16xf32>
      %get3A_56 = arith.constant 16 : index
      %get3A_57 = tpu.vector_load %arg4[%get3A_56] {strides = array<i32>} : memref<224xf32, #tpu.memory_space<vmem>>, vector<16xf32>,
      %get3A_58 = vector.shape_cast %get3A_57 : vector<16xf32> to vector<16xf32>
      %get3A_59 = arith.constant 32 : index
      %get3A_60 = tpu.vector_load %arg4[%get3A_59] {strides = array<i32>} : memref<224xf32, #tpu.memory_space<vmem>>, vector<16xf32>,
      %get3A_61 = vector.shape_cast %get3A_60 : vector<16xf32> to vector<16xf32>
      %get3A_62 = arith.constant 48 : index
      %get3A_63 = tpu.vector_load %arg4[%get3A_62] {strides = array<i32>} : memref<224xf32, #tpu.memory_space<vmem>>, vector<16xf32>,
      %get3A_64 = vector.shape_cast %get3A_63 : vector<16xf32> to vector<16xf32>
      %iota3A = tpu.iota {dimensions = array<i32: 0>} : vector<16xi32>
      %add3A_65 = arith.constant 0 : i32
      %add3A_66 = vector.broadcast %add3A_65 : i32 to vector<16xi32>
      %add3A_67 = arith.addi %iota3A, %add3A_66 : vector<16xi32>
      %iota3A_68 = tpu.iota {dimensions = array<i32: 0>} : vector<16xi32>
      %add3A_69 = arith.constant 16 : i32
      %add3A_70 = vector.broadcast %add3A_69 : i32 to vector<16xi32>
      %add3A_71 = arith.addi %iota3A_68, %add3A_70 : vector<16xi32>
      %iota3A_72 = tpu.iota {dimensions = array<i32: 0>} : vector<16xi32>
      %add3A_73 = arith.constant 32 : i32
      %add3A_74 = vector.broadcast %add3A_73 : i32 to vector<16xi32>
      %add3A_75 = arith.addi %iota3A_72, %add3A_74 : vector<16xi32>
      %iota3A_76 = tpu.iota {dimensions = array<i32: 0>} : vector<16xi32>
      %add3A_77 = arith.constant 48 : i32
      %add3A_78 = vector.broadcast %add3A_77 : i32 to vector<16xi32>
      %add3A_79 = arith.addi %iota3A_76, %add3A_78 : vector<16xi32>
      %broadcast_in_dim3A = arith.constant 0.000000e+00 : f32
      %broadcast_in_dim3A_80 = vector.broadcast %broadcast_in_dim3A : f32 to vector<16xf32>
      %ge3A = arith.cmpf oge, %broadcast_in_dim3A_80, %get3A_34 : vector<16xf32>
      %jit3A_81 = arith.constant 1.000000e+00 : f32
      %jit3A_82 = arith.constant 0.000000e+00 : f32
      %broadcast_in_dim3A_83 = vector.broadcast %jit3A_81 : f32 to vector<16xf32>
      %broadcast_in_dim3A_84 = vector.broadcast %jit3A_82 : f32 to vector<16xf32>
      %select_n3A_85 = arith.select %ge3A, %broadcast_in_dim3A_83, %broadcast_in_dim3A_84 : vector<16xi1>, vector<16xf32>
      %swap3A = arith.constant 0 : index
      %swap3A_86 = tpu.vector_load %arg5[%swap3A] {strides = array<i32>} : memref<64xf32, #tpu.memory_space<vmem>>, vector<16xf32>,
      %swap3A_87 = vector.shape_cast %swap3A_86 : vector<16xf32> to vector<16xf32>
      %swap3A_88 = vector.shape_cast %select_n3A_85 : vector<16xf32> to vector<16xf32>
      tpu.vector_store %arg5[%swap3A], %swap3A_88 {strides = array<i32>} : memref<64xf32, #tpu.memory_space<vmem>>, vector<16xf32>,
      %ge3A_89 = arith.cmpf oge, %broadcast_in_dim3A_80, %get3A_34 : vector<16xf32>
      %jit3A_90 = arith.constant 1.000000e+00 : f32
      %jit3A_91 = arith.constant 0.000000e+00 : f32
      %broadcast_in_dim3A_92 = vector.broadcast %jit3A_90 : f32 to vector<16xf32>
      %broadcast_in_dim3A_93 = vector.broadcast %jit3A_91 : f32 to vector<16xf32>
      %select_n3A_94 = arith.select %ge3A_89, %broadcast_in_dim3A_92, %broadcast_in_dim3A_93 : vector<16xi1>, vector<16xf32>
      %swap3A_95 = arith.constant 16 : index
      %swap3A_96 = tpu.vector_load %arg5[%swap3A_95] {strides = array<i32>} : memref<64xf32, #tpu.memory_space<vmem>>, vector<16xf32>,
      %swap3A_97 = vector.shape_cast %swap3A_96 : vector<16xf32> to vector<16xf32>
      %swap3A_98 = vector.shape_cast %select_n3A_94 : vector<16xf32> to vector<16xf32>
      tpu.vector_store %arg5[%swap3A_95], %swap3A_98 {strides = array<i32>} : memref<64xf32, #tpu.memory_space<vmem>>, vector<16xf32>,
      %ge3A_99 = arith.cmpf oge, %broadcast_in_dim3A_80, %get3A_34 : vector<16xf32>
      %jit3A_100 = arith.constant 1.000000e+00 : f32
      %jit3A_101 = arith.constant 0.000000e+00 : f32
      %broadcast_in_dim3A_102 = vector.broadcast %jit3A_100 : f32 to vector<16xf32>
      %broadcast_in_dim3A_103 = vector.broadcast %jit3A_101 : f32 to vector<16xf32>
      %select_n3A_104 = arith.select %ge3A_99, %broadcast_in_dim3A_102, %broadcast_in_dim3A_103 : vector<16xi1>, vector<16xf32>
      %swap3A_105 = arith.constant 32 : index
      %swap3A_106 = tpu.vector_load %arg5[%swap3A_105] {strides = array<i32>} : memref<64xf32, #tpu.memory_space<vmem>>, vector<16xf32>,
      %swap3A_107 = vector.shape_cast %swap3A_106 : vector<16xf32> to vector<16xf32>
      %swap3A_108 = vector.shape_cast %select_n3A_104 : vector<16xf32> to vector<16xf32>
      tpu.vector_store %arg5[%swap3A_105], %swap3A_108 {strides = array<i32>} : memref<64xf32, #tpu.memory_space<vmem>>, vector<16xf32>,
      %ge3A_109 = arith.cmpf oge, %broadcast_in_dim3A_80, %get3A_34 : vector<16xf32>
      %jit3A_110 = arith.constant 1.000000e+00 : f32
      %jit3A_111 = arith.constant 0.000000e+00 : f32
      %broadcast_in_dim3A_112 = vector.broadcast %jit3A_110 : f32 to vector<16xf32>
      %broadcast_in_dim3A_113 = vector.broadcast %jit3A_111 : f32 to vector<16xf32>
      %select_n3A_114 = arith.select %ge3A_109, %broadcast_in_dim3A_112, %broadcast_in_dim3A_113 : vector<16xi1>, vector<16xf32>
      %swap3A_115 = arith.constant 48 : index
      %swap3A_116 = tpu.vector_load %arg5[%swap3A_115] {strides = array<i32>} : memref<64xf32, #tpu.memory_space<vmem>>, vector<16xf32>,
      %swap3A_117 = vector.shape_cast %swap3A_116 : vector<16xf32> to vector<16xf32>
      %swap3A_118 = vector.shape_cast %select_n3A_114 : vector<16xf32> to vector<16xf32>
      tpu.vector_store %arg5[%swap3A_115], %swap3A_118 {strides = array<i32>} : memref<64xf32, #tpu.memory_space<vmem>>, vector<16xf32>,
      %mul3A_119 = arith.constant 224 : i32
      %mul3A_120 = arith.muli %select_n3A, %mul3A_119 : i32
      %add3A_121 = arith.constant 0 : i32
      %add3A_122 = arith.addi %mul3A_120, %add3A_121 : i32
      "tpu.region"() ({
        %run_scoped3A = tpu.sem_alloc : memref<!tpu.dma_semaphore, #tpu.memory_space<semaphore_mem>>
        %dma_start3A = arith.constant 0 : i32
        %dma_start3A_123 = tpu.memref_slice %arg5[%dma_start3A] : memref<64xf32, #tpu.memory_space<vmem>> -> memref<64xf32, #tpu.memory_space<vmem>>
        %dma_start3A_124 = tpu.memref_slice %arg3[%add3A_122] : memref<1792xf32, #tpu.memory_space<hbm>> -> memref<64xf32, #tpu.memory_space<hbm>>
        %dma_start3A_125 = tpu.memref_slice %arg3[%add3A_122] : memref<1792xf32, #tpu.memory_space<hbm>> -> memref<64xf32, #tpu.memory_space<hbm>>
        %dma_start3A_126 = arith.constant 0 : i32
        %dma_start3A_127 = tpu.memref_slice %arg5[%dma_start3A_126] : memref<64xf32, #tpu.memory_space<vmem>> -> memref<64xf32, #tpu.memory_space<vmem>>
        tpu.enqueue_dma source(%dma_start3A_127 : memref<64xf32, #tpu.memory_space<vmem>>) target(%dma_start3A_125 : memref<64xf32, #tpu.memory_space<hbm>>) target_semaphore(%run_scoped3A : memref<!tpu.dma_semaphore, #tpu.memory_space<semaphore_mem>>)
        %dma_wait3A = arith.constant 0 : i32
        %dma_wait3A_128 = tpu.memref_slice %arg5[%dma_wait3A] : memref<64xf32, #tpu.memory_space<vmem>> -> memref<64xf32, #tpu.memory_space<vmem>>
        %dma_wait3A_129 = tpu.memref_slice %arg3[%add3A_122] : memref<1792xf32, #tpu.memory_space<hbm>> -> memref<64xf32, #tpu.memory_space<hbm>>
        %dma_wait3A_130 = tpu.memref_slice %arg3[%add3A_122] : memref<1792xf32, #tpu.memory_space<hbm>> -> memref<64xf32, #tpu.memory_space<hbm>>
        %dma_wait3A_131 = arith.constant 0 : i32
        %dma_wait3A_132 = tpu.memref_slice %arg5[%dma_wait3A_131] : memref<64xf32, #tpu.memory_space<vmem>> -> memref<64xf32, #tpu.memory_space<vmem>>
        tpu.wait_dma2 semaphore(%run_scoped3A : memref<!tpu.dma_semaphore, #tpu.memory_space<semaphore_mem>>) src(%dma_wait3A_132 : memref<64xf32, #tpu.memory_space<vmem>>) dst(%dma_wait3A_130 : memref<64xf32, #tpu.memory_space<hbm>>)
        tpu.yield
      }) : () -> ()
    } else {
    }
    %eq3A_38 = arith.constant 1 : i32
    %eq3A_39 = arith.cmpi eq, %select_n3A_30, %eq3A_38 : i32
    %convert_element_type3A_40 = arith.extui %eq3A_39 : i1 to i32
    %cond3A_41 = arith.constant 0 : i32
    %cond3A_42 = arith.cmpi ne, %convert_element_type3A_40, %cond3A_41 : i32
    scf.if %cond3A_42 {
      %get3A_53 = arith.constant 64 : index
      %get3A_54 = tpu.vector_load %arg4[%get3A_53] {strides = array<i32>} : memref<224xf32, #tpu.memory_space<vmem>>, vector<16xf32>,
      %get3A_55 = vector.shape_cast %get3A_54 : vector<16xf32> to vector<16xf32>
      %get3A_56 = arith.constant 80 : index
      %get3A_57 = tpu.vector_load %arg4[%get3A_56] {strides = array<i32>} : memref<224xf32, #tpu.memory_space<vmem>>, vector<16xf32>,
      %get3A_58 = vector.shape_cast %get3A_57 : vector<16xf32> to vector<16xf32>
      %get3A_59 = arith.constant 96 : index
      %get3A_60 = tpu.vector_load %arg4[%get3A_59] {strides = array<i32>} : memref<224xf32, #tpu.memory_space<vmem>>, vector<16xf32>,
      %get3A_61 = vector.shape_cast %get3A_60 : vector<16xf32> to vector<16xf32>
      %iota3A = tpu.iota {dimensions = array<i32: 0>} : vector<16xi32>
      %add3A_62 = arith.constant 64 : i32
      %add3A_63 = vector.broadcast %add3A_62 : i32 to vector<16xi32>
      %add3A_64 = arith.addi %iota3A, %add3A_63 : vector<16xi32>
      %iota3A_65 = tpu.iota {dimensions = array<i32: 0>} : vector<16xi32>
      %add3A_66 = arith.constant 80 : i32
      %add3A_67 = vector.broadcast %add3A_66 : i32 to vector<16xi32>
      %add3A_68 = arith.addi %iota3A_65, %add3A_67 : vector<16xi32>
      %iota3A_69 = tpu.iota {dimensions = array<i32: 0>} : vector<16xi32>
      %add3A_70 = arith.constant 96 : i32
      %add3A_71 = vector.broadcast %add3A_70 : i32 to vector<16xi32>
      %add3A_72 = arith.addi %iota3A_69, %add3A_71 : vector<16xi32>
      %broadcast_in_dim3A = arith.constant 0.000000e+00 : f32
      %broadcast_in_dim3A_73 = vector.broadcast %broadcast_in_dim3A : f32 to vector<16xf32>
      %ge3A = arith.cmpf oge, %broadcast_in_dim3A_73, %get3A_34 : vector<16xf32>
      %jit3A_74 = arith.constant 1.000000e+00 : f32
      %jit3A_75 = arith.constant 0.000000e+00 : f32
      %broadcast_in_dim3A_76 = vector.broadcast %jit3A_74 : f32 to vector<16xf32>
      %broadcast_in_dim3A_77 = vector.broadcast %jit3A_75 : f32 to vector<16xf32>
      %select_n3A_78 = arith.select %ge3A, %broadcast_in_dim3A_76, %broadcast_in_dim3A_77 : vector<16xi1>, vector<16xf32>
      %swap3A = arith.constant 0 : index
      %swap3A_79 = tpu.vector_load %arg5[%swap3A] {strides = array<i32>} : memref<64xf32, #tpu.memory_space<vmem>>, vector<16xf32>,
      %swap3A_80 = vector.shape_cast %swap3A_79 : vector<16xf32> to vector<16xf32>
      %swap3A_81 = vector.shape_cast %select_n3A_78 : vector<16xf32> to vector<16xf32>
      tpu.vector_store %arg5[%swap3A], %swap3A_81 {strides = array<i32>} : memref<64xf32, #tpu.memory_space<vmem>>, vector<16xf32>,
      %ge3A_82 = arith.cmpf oge, %broadcast_in_dim3A_73, %get3A_34 : vector<16xf32>
      %jit3A_83 = arith.constant 1.000000e+00 : f32
      %jit3A_84 = arith.constant 0.000000e+00 : f32
      %broadcast_in_dim3A_85 = vector.broadcast %jit3A_83 : f32 to vector<16xf32>
      %broadcast_in_dim3A_86 = vector.broadcast %jit3A_84 : f32 to vector<16xf32>
      %select_n3A_87 = arith.select %ge3A_82, %broadcast_in_dim3A_85, %broadcast_in_dim3A_86 : vector<16xi1>, vector<16xf32>
      %swap3A_88 = arith.constant 16 : index
      %swap3A_89 = tpu.vector_load %arg5[%swap3A_88] {strides = array<i32>} : memref<64xf32, #tpu.memory_space<vmem>>, vector<16xf32>,
      %swap3A_90 = vector.shape_cast %swap3A_89 : vector<16xf32> to vector<16xf32>
      %swap3A_91 = vector.shape_cast %select_n3A_87 : vector<16xf32> to vector<16xf32>
      tpu.vector_store %arg5[%swap3A_88], %swap3A_91 {strides = array<i32>} : memref<64xf32, #tpu.memory_space<vmem>>, vector<16xf32>,
      %ge3A_92 = arith.cmpf oge, %broadcast_in_dim3A_73, %get3A_34 : vector<16xf32>
      %jit3A_93 = arith.constant 1.000000e+00 : f32
      %jit3A_94 = arith.constant 0.000000e+00 : f32
      %broadcast_in_dim3A_95 = vector.broadcast %jit3A_93 : f32 to vector<16xf32>
      %broadcast_in_dim3A_96 = vector.broadcast %jit3A_94 : f32 to vector<16xf32>
      %select_n3A_97 = arith.select %ge3A_92, %broadcast_in_dim3A_95, %broadcast_in_dim3A_96 : vector<16xi1>, vector<16xf32>
      %swap3A_98 = arith.constant 32 : index
      %swap3A_99 = tpu.vector_load %arg5[%swap3A_98] {strides = array<i32>} : memref<64xf32, #tpu.memory_space<vmem>>, vector<16xf32>,
      %swap3A_100 = vector.shape_cast %swap3A_99 : vector<16xf32> to vector<16xf32>
      %swap3A_101 = vector.shape_cast %select_n3A_97 : vector<16xf32> to vector<16xf32>
      tpu.vector_store %arg5[%swap3A_98], %swap3A_101 {strides = array<i32>} : memref<64xf32, #tpu.memory_space<vmem>>, vector<16xf32>,
      %mul3A_102 = arith.constant 224 : i32
      %mul3A_103 = arith.muli %select_n3A, %mul3A_102 : i32
      %add3A_104 = arith.constant 64 : i32
      %add3A_105 = arith.addi %mul3A_103, %add3A_104 : i32
      "tpu.region"() ({
        %run_scoped3A = tpu.sem_alloc : memref<!tpu.dma_semaphore, #tpu.memory_space<semaphore_mem>>
        %dma_start3A = arith.constant 0 : i32
        %dma_start3A_106 = tpu.memref_slice %arg5[%dma_start3A] : memref<64xf32, #tpu.memory_space<vmem>> -> memref<48xf32, #tpu.memory_space<vmem>>
        %dma_start3A_107 = tpu.memref_slice %arg3[%add3A_105] : memref<1792xf32, #tpu.memory_space<hbm>> -> memref<48xf32, #tpu.memory_space<hbm>>
        %dma_start3A_108 = tpu.memref_slice %arg3[%add3A_105] : memref<1792xf32, #tpu.memory_space<hbm>> -> memref<48xf32, #tpu.memory_space<hbm>>
        %dma_start3A_109 = arith.constant 0 : i32
        %dma_start3A_110 = tpu.memref_slice %arg5[%dma_start3A_109] : memref<64xf32, #tpu.memory_space<vmem>> -> memref<48xf32, #tpu.memory_space<vmem>>
        tpu.enqueue_dma source(%dma_start3A_110 : memref<48xf32, #tpu.memory_space<vmem>>) target(%dma_start3A_108 : memref<48xf32, #tpu.memory_space<hbm>>) target_semaphore(%run_scoped3A : memref<!tpu.dma_semaphore, #tpu.memory_space<semaphore_mem>>)
        %dma_wait3A = arith.constant 0 : i32
        %dma_wait3A_111 = tpu.memref_slice %arg5[%dma_wait3A] : memref<64xf32, #tpu.memory_space<vmem>> -> memref<48xf32, #tpu.memory_space<vmem>>
        %dma_wait3A_112 = tpu.memref_slice %arg3[%add3A_105] : memref<1792xf32, #tpu.memory_space<hbm>> -> memref<48xf32, #tpu.memory_space<hbm>>
        %dma_wait3A_113 = tpu.memref_slice %arg3[%add3A_105] : memref<1792xf32, #tpu.memory_space<hbm>> -> memref<48xf32, #tpu.memory_space<hbm>>
        %dma_wait3A_114 = arith.constant 0 : i32
        %dma_wait3A_115 = tpu.memref_slice %arg5[%dma_wait3A_114] : memref<64xf32, #tpu.memory_space<vmem>> -> memref<48xf32, #tpu.memory_space<vmem>>
        tpu.wait_dma2 semaphore(%run_scoped3A : memref<!tpu.dma_semaphore, #tpu.memory_space<semaphore_mem>>) src(%dma_wait3A_115 : memref<48xf32, #tpu.memory_space<vmem>>) dst(%dma_wait3A_113 : memref<48xf32, #tpu.memory_space<hbm>>)
        tpu.yield
      }) : () -> ()
    } else {
    }
    %eq3A_43 = arith.constant 2 : i32
    %eq3A_44 = arith.cmpi eq, %select_n3A_30, %eq3A_43 : i32
    %convert_element_type3A_45 = arith.extui %eq3A_44 : i1 to i32
    %cond3A_46 = arith.constant 0 : i32
    %cond3A_47 = arith.cmpi ne, %convert_element_type3A_45, %cond3A_46 : i32
    scf.if %cond3A_47 {
      %get3A_53 = arith.constant 112 : index
      %get3A_54 = tpu.vector_load %arg4[%get3A_53] {strides = array<i32>} : memref<224xf32, #tpu.memory_space<vmem>>, vector<16xf32>,
      %get3A_55 = vector.shape_cast %get3A_54 : vector<16xf32> to vector<16xf32>
      %get3A_56 = arith.constant 128 : index
      %get3A_57 = tpu.vector_load %arg4[%get3A_56] {strides = array<i32>} : memref<224xf32, #tpu.memory_space<vmem>>, vector<16xf32>,
      %get3A_58 = vector.shape_cast %get3A_57 : vector<16xf32> to vector<16xf32>
      %get3A_59 = arith.constant 144 : index
      %get3A_60 = tpu.vector_load %arg4[%get3A_59] {strides = array<i32>} : memref<224xf32, #tpu.memory_space<vmem>>, vector<16xf32>,
      %get3A_61 = vector.shape_cast %get3A_60 : vector<16xf32> to vector<16xf32>
      %iota3A = tpu.iota {dimensions = array<i32: 0>} : vector<16xi32>
      %add3A_62 = arith.constant 112 : i32
      %add3A_63 = vector.broadcast %add3A_62 : i32 to vector<16xi32>
      %add3A_64 = arith.addi %iota3A, %add3A_63 : vector<16xi32>
      %iota3A_65 = tpu.iota {dimensions = array<i32: 0>} : vector<16xi32>
      %add3A_66 = arith.constant 128 : i32
      %add3A_67 = vector.broadcast %add3A_66 : i32 to vector<16xi32>
      %add3A_68 = arith.addi %iota3A_65, %add3A_67 : vector<16xi32>
      %iota3A_69 = tpu.iota {dimensions = array<i32: 0>} : vector<16xi32>
      %add3A_70 = arith.constant 144 : i32
      %add3A_71 = vector.broadcast %add3A_70 : i32 to vector<16xi32>
      %add3A_72 = arith.addi %iota3A_69, %add3A_71 : vector<16xi32>
      %broadcast_in_dim3A = arith.constant 0.000000e+00 : f32
      %broadcast_in_dim3A_73 = vector.broadcast %broadcast_in_dim3A : f32 to vector<16xf32>
      %ge3A = arith.cmpf oge, %broadcast_in_dim3A_73, %get3A_34 : vector<16xf32>
      %jit3A_74 = arith.constant 1.000000e+00 : f32
      %jit3A_75 = arith.constant 0.000000e+00 : f32
      %broadcast_in_dim3A_76 = vector.broadcast %jit3A_74 : f32 to vector<16xf32>
      %broadcast_in_dim3A_77 = vector.broadcast %jit3A_75 : f32 to vector<16xf32>
      %select_n3A_78 = arith.select %ge3A, %broadcast_in_dim3A_76, %broadcast_in_dim3A_77 : vector<16xi1>, vector<16xf32>
      %swap3A = arith.constant 0 : index
      %swap3A_79 = tpu.vector_load %arg5[%swap3A] {strides = array<i32>} : memref<64xf32, #tpu.memory_space<vmem>>, vector<16xf32>,
      %swap3A_80 = vector.shape_cast %swap3A_79 : vector<16xf32> to vector<16xf32>
      %swap3A_81 = vector.shape_cast %select_n3A_78 : vector<16xf32> to vector<16xf32>
      tpu.vector_store %arg5[%swap3A], %swap3A_81 {strides = array<i32>} : memref<64xf32, #tpu.memory_space<vmem>>, vector<16xf32>,
      %ge3A_82 = arith.cmpf oge, %broadcast_in_dim3A_73, %get3A_34 : vector<16xf32>
      %jit3A_83 = arith.constant 1.000000e+00 : f32
      %jit3A_84 = arith.constant 0.000000e+00 : f32
      %broadcast_in_dim3A_85 = vector.broadcast %jit3A_83 : f32 to vector<16xf32>
      %broadcast_in_dim3A_86 = vector.broadcast %jit3A_84 : f32 to vector<16xf32>
      %select_n3A_87 = arith.select %ge3A_82, %broadcast_in_dim3A_85, %broadcast_in_dim3A_86 : vector<16xi1>, vector<16xf32>
      %swap3A_88 = arith.constant 16 : index
      %swap3A_89 = tpu.vector_load %arg5[%swap3A_88] {strides = array<i32>} : memref<64xf32, #tpu.memory_space<vmem>>, vector<16xf32>,
      %swap3A_90 = vector.shape_cast %swap3A_89 : vector<16xf32> to vector<16xf32>
      %swap3A_91 = vector.shape_cast %select_n3A_87 : vector<16xf32> to vector<16xf32>
      tpu.vector_store %arg5[%swap3A_88], %swap3A_91 {strides = array<i32>} : memref<64xf32, #tpu.memory_space<vmem>>, vector<16xf32>,
      %ge3A_92 = arith.cmpf oge, %broadcast_in_dim3A_73, %get3A_34 : vector<16xf32>
      %jit3A_93 = arith.constant 1.000000e+00 : f32
      %jit3A_94 = arith.constant 0.000000e+00 : f32
      %broadcast_in_dim3A_95 = vector.broadcast %jit3A_93 : f32 to vector<16xf32>
      %broadcast_in_dim3A_96 = vector.broadcast %jit3A_94 : f32 to vector<16xf32>
      %select_n3A_97 = arith.select %ge3A_92, %broadcast_in_dim3A_95, %broadcast_in_dim3A_96 : vector<16xi1>, vector<16xf32>
      %swap3A_98 = arith.constant 32 : index
      %swap3A_99 = tpu.vector_load %arg5[%swap3A_98] {strides = array<i32>} : memref<64xf32, #tpu.memory_space<vmem>>, vector<16xf32>,
      %swap3A_100 = vector.shape_cast %swap3A_99 : vector<16xf32> to vector<16xf32>
      %swap3A_101 = vector.shape_cast %select_n3A_97 : vector<16xf32> to vector<16xf32>
      tpu.vector_store %arg5[%swap3A_98], %swap3A_101 {strides = array<i32>} : memref<64xf32, #tpu.memory_space<vmem>>, vector<16xf32>,
      %mul3A_102 = arith.constant 224 : i32
      %mul3A_103 = arith.muli %select_n3A, %mul3A_102 : i32
      %add3A_104 = arith.constant 112 : i32
      %add3A_105 = arith.addi %mul3A_103, %add3A_104 : i32
      "tpu.region"() ({
        %run_scoped3A = tpu.sem_alloc : memref<!tpu.dma_semaphore, #tpu.memory_space<semaphore_mem>>
        %dma_start3A = arith.constant 0 : i32
        %dma_start3A_106 = tpu.memref_slice %arg5[%dma_start3A] : memref<64xf32, #tpu.memory_space<vmem>> -> memref<48xf32, #tpu.memory_space<vmem>>
        %dma_start3A_107 = tpu.memref_slice %arg3[%add3A_105] : memref<1792xf32, #tpu.memory_space<hbm>> -> memref<48xf32, #tpu.memory_space<hbm>>
        %dma_start3A_108 = tpu.memref_slice %arg3[%add3A_105] : memref<1792xf32, #tpu.memory_space<hbm>> -> memref<48xf32, #tpu.memory_space<hbm>>
        %dma_start3A_109 = arith.constant 0 : i32
        %dma_start3A_110 = tpu.memref_slice %arg5[%dma_start3A_109] : memref<64xf32, #tpu.memory_space<vmem>> -> memref<48xf32, #tpu.memory_space<vmem>>
        tpu.enqueue_dma source(%dma_start3A_110 : memref<48xf32, #tpu.memory_space<vmem>>) target(%dma_start3A_108 : memref<48xf32, #tpu.memory_space<hbm>>) target_semaphore(%run_scoped3A : memref<!tpu.dma_semaphore, #tpu.memory_space<semaphore_mem>>)
        %dma_wait3A = arith.constant 0 : i32
        %dma_wait3A_111 = tpu.memref_slice %arg5[%dma_wait3A] : memref<64xf32, #tpu.memory_space<vmem>> -> memref<48xf32, #tpu.memory_space<vmem>>
        %dma_wait3A_112 = tpu.memref_slice %arg3[%add3A_105] : memref<1792xf32, #tpu.memory_space<hbm>> -> memref<48xf32, #tpu.memory_space<hbm>>
        %dma_wait3A_113 = tpu.memref_slice %arg3[%add3A_105] : memref<1792xf32, #tpu.memory_space<hbm>> -> memref<48xf32, #tpu.memory_space<hbm>>
        %dma_wait3A_114 = arith.constant 0 : i32
        %dma_wait3A_115 = tpu.memref_slice %arg5[%dma_wait3A_114] : memref<64xf32, #tpu.memory_space<vmem>> -> memref<48xf32, #tpu.memory_space<vmem>>
        tpu.wait_dma2 semaphore(%run_scoped3A : memref<!tpu.dma_semaphore, #tpu.memory_space<semaphore_mem>>) src(%dma_wait3A_115 : memref<48xf32, #tpu.memory_space<vmem>>) dst(%dma_wait3A_113 : memref<48xf32, #tpu.memory_space<hbm>>)
        tpu.yield
      }) : () -> ()
    } else {
    }
    %eq3A_48 = arith.constant 3 : i32
    %eq3A_49 = arith.cmpi eq, %select_n3A_30, %eq3A_48 : i32
    %convert_element_type3A_50 = arith.extui %eq3A_49 : i1 to i32
    %cond3A_51 = arith.constant 0 : i32
    %cond3A_52 = arith.cmpi ne, %convert_element_type3A_50, %cond3A_51 : i32
    scf.if %cond3A_52 {
      %get3A_53 = arith.constant 160 : index
      %get3A_54 = tpu.vector_load %arg4[%get3A_53] {strides = array<i32>} : memref<224xf32, #tpu.memory_space<vmem>>, vector<16xf32>,
      %get3A_55 = vector.shape_cast %get3A_54 : vector<16xf32> to vector<16xf32>
      %get3A_56 = arith.constant 176 : index
      %get3A_57 = tpu.vector_load %arg4[%get3A_56] {strides = array<i32>} : memref<224xf32, #tpu.memory_space<vmem>>, vector<16xf32>,
      %get3A_58 = vector.shape_cast %get3A_57 : vector<16xf32> to vector<16xf32>
      %get3A_59 = arith.constant 192 : index
      %get3A_60 = tpu.vector_load %arg4[%get3A_59] {strides = array<i32>} : memref<224xf32, #tpu.memory_space<vmem>>, vector<16xf32>,
      %get3A_61 = vector.shape_cast %get3A_60 : vector<16xf32> to vector<16xf32>
      %iota3A = tpu.iota {dimensions = array<i32: 0>} : vector<16xi32>
      %add3A_62 = arith.constant 160 : i32
      %add3A_63 = vector.broadcast %add3A_62 : i32 to vector<16xi32>
      %add3A_64 = arith.addi %iota3A, %add3A_63 : vector<16xi32>
      %iota3A_65 = tpu.iota {dimensions = array<i32: 0>} : vector<16xi32>
      %add3A_66 = arith.constant 176 : i32
      %add3A_67 = vector.broadcast %add3A_66 : i32 to vector<16xi32>
      %add3A_68 = arith.addi %iota3A_65, %add3A_67 : vector<16xi32>
      %iota3A_69 = tpu.iota {dimensions = array<i32: 0>} : vector<16xi32>
      %add3A_70 = arith.constant 192 : i32
      %add3A_71 = vector.broadcast %add3A_70 : i32 to vector<16xi32>
      %add3A_72 = arith.addi %iota3A_69, %add3A_71 : vector<16xi32>
      %broadcast_in_dim3A = arith.constant 0.000000e+00 : f32
      %broadcast_in_dim3A_73 = vector.broadcast %broadcast_in_dim3A : f32 to vector<16xf32>
      %ge3A = arith.cmpf oge, %broadcast_in_dim3A_73, %get3A_34 : vector<16xf32>
      %jit3A_74 = arith.constant 1.000000e+00 : f32
      %jit3A_75 = arith.constant 0.000000e+00 : f32
      %broadcast_in_dim3A_76 = vector.broadcast %jit3A_74 : f32 to vector<16xf32>
      %broadcast_in_dim3A_77 = vector.broadcast %jit3A_75 : f32 to vector<16xf32>
      %select_n3A_78 = arith.select %ge3A, %broadcast_in_dim3A_76, %broadcast_in_dim3A_77 : vector<16xi1>, vector<16xf32>
      %swap3A = arith.constant 0 : index
      %swap3A_79 = tpu.vector_load %arg5[%swap3A] {strides = array<i32>} : memref<64xf32, #tpu.memory_space<vmem>>, vector<16xf32>,
      %swap3A_80 = vector.shape_cast %swap3A_79 : vector<16xf32> to vector<16xf32>
      %swap3A_81 = vector.shape_cast %select_n3A_78 : vector<16xf32> to vector<16xf32>
      tpu.vector_store %arg5[%swap3A], %swap3A_81 {strides = array<i32>} : memref<64xf32, #tpu.memory_space<vmem>>, vector<16xf32>,
      %ge3A_82 = arith.cmpf oge, %broadcast_in_dim3A_73, %get3A_34 : vector<16xf32>
      %jit3A_83 = arith.constant 1.000000e+00 : f32
      %jit3A_84 = arith.constant 0.000000e+00 : f32
      %broadcast_in_dim3A_85 = vector.broadcast %jit3A_83 : f32 to vector<16xf32>
      %broadcast_in_dim3A_86 = vector.broadcast %jit3A_84 : f32 to vector<16xf32>
      %select_n3A_87 = arith.select %ge3A_82, %broadcast_in_dim3A_85, %broadcast_in_dim3A_86 : vector<16xi1>, vector<16xf32>
      %swap3A_88 = arith.constant 16 : index
      %swap3A_89 = tpu.vector_load %arg5[%swap3A_88] {strides = array<i32>} : memref<64xf32, #tpu.memory_space<vmem>>, vector<16xf32>,
      %swap3A_90 = vector.shape_cast %swap3A_89 : vector<16xf32> to vector<16xf32>
      %swap3A_91 = vector.shape_cast %select_n3A_87 : vector<16xf32> to vector<16xf32>
      tpu.vector_store %arg5[%swap3A_88], %swap3A_91 {strides = array<i32>} : memref<64xf32, #tpu.memory_space<vmem>>, vector<16xf32>,
      %ge3A_92 = arith.cmpf oge, %broadcast_in_dim3A_73, %get3A_34 : vector<16xf32>
      %jit3A_93 = arith.constant 1.000000e+00 : f32
      %jit3A_94 = arith.constant 0.000000e+00 : f32
      %broadcast_in_dim3A_95 = vector.broadcast %jit3A_93 : f32 to vector<16xf32>
      %broadcast_in_dim3A_96 = vector.broadcast %jit3A_94 : f32 to vector<16xf32>
      %select_n3A_97 = arith.select %ge3A_92, %broadcast_in_dim3A_95, %broadcast_in_dim3A_96 : vector<16xi1>, vector<16xf32>
      %swap3A_98 = arith.constant 32 : index
      %swap3A_99 = tpu.vector_load %arg5[%swap3A_98] {strides = array<i32>} : memref<64xf32, #tpu.memory_space<vmem>>, vector<16xf32>,
      %swap3A_100 = vector.shape_cast %swap3A_99 : vector<16xf32> to vector<16xf32>
      %swap3A_101 = vector.shape_cast %select_n3A_97 : vector<16xf32> to vector<16xf32>
      tpu.vector_store %arg5[%swap3A_98], %swap3A_101 {strides = array<i32>} : memref<64xf32, #tpu.memory_space<vmem>>, vector<16xf32>,
      %mul3A_102 = arith.constant 224 : i32
      %mul3A_103 = arith.muli %select_n3A, %mul3A_102 : i32
      %add3A_104 = arith.constant 160 : i32
      %add3A_105 = arith.addi %mul3A_103, %add3A_104 : i32
      "tpu.region"() ({
        %run_scoped3A = tpu.sem_alloc : memref<!tpu.dma_semaphore, #tpu.memory_space<semaphore_mem>>
        %dma_start3A = arith.constant 0 : i32
        %dma_start3A_106 = tpu.memref_slice %arg5[%dma_start3A] : memref<64xf32, #tpu.memory_space<vmem>> -> memref<48xf32, #tpu.memory_space<vmem>>
        %dma_start3A_107 = tpu.memref_slice %arg3[%add3A_105] : memref<1792xf32, #tpu.memory_space<hbm>> -> memref<48xf32, #tpu.memory_space<hbm>>
        %dma_start3A_108 = tpu.memref_slice %arg3[%add3A_105] : memref<1792xf32, #tpu.memory_space<hbm>> -> memref<48xf32, #tpu.memory_space<hbm>>
        %dma_start3A_109 = arith.constant 0 : i32
        %dma_start3A_110 = tpu.memref_slice %arg5[%dma_start3A_109] : memref<64xf32, #tpu.memory_space<vmem>> -> memref<48xf32, #tpu.memory_space<vmem>>
        tpu.enqueue_dma source(%dma_start3A_110 : memref<48xf32, #tpu.memory_space<vmem>>) target(%dma_start3A_108 : memref<48xf32, #tpu.memory_space<hbm>>) target_semaphore(%run_scoped3A : memref<!tpu.dma_semaphore, #tpu.memory_space<semaphore_mem>>)
        %dma_wait3A = arith.constant 0 : i32
        %dma_wait3A_111 = tpu.memref_slice %arg5[%dma_wait3A] : memref<64xf32, #tpu.memory_space<vmem>> -> memref<48xf32, #tpu.memory_space<vmem>>
        %dma_wait3A_112 = tpu.memref_slice %arg3[%add3A_105] : memref<1792xf32, #tpu.memory_space<hbm>> -> memref<48xf32, #tpu.memory_space<hbm>>
        %dma_wait3A_113 = tpu.memref_slice %arg3[%add3A_105] : memref<1792xf32, #tpu.memory_space<hbm>> -> memref<48xf32, #tpu.memory_space<hbm>>
        %dma_wait3A_114 = arith.constant 0 : i32
        %dma_wait3A_115 = tpu.memref_slice %arg5[%dma_wait3A_114] : memref<64xf32, #tpu.memory_space<vmem>> -> memref<48xf32, #tpu.memory_space<vmem>>
        tpu.wait_dma2 semaphore(%run_scoped3A : memref<!tpu.dma_semaphore, #tpu.memory_space<semaphore_mem>>) src(%dma_wait3A_115 : memref<48xf32, #tpu.memory_space<vmem>>) dst(%dma_wait3A_113 : memref<48xf32, #tpu.memory_space<hbm>>)
        tpu.yield
      }) : () -> ()
    } else {
    }
    return
  }
}

module attributes {stable_mosaic.version = 14 : i64} {
  func.func @_mul_kernel(%arg0: i32, %arg1: i32, %arg2: memref<1x32x224x224xf32, #tpu.memory_space<vmem>>, %arg3: memref<1x1x224xf32, #tpu.memory_space<vmem>>, %arg4: memref<1x32x224x224xf32, #tpu.memory_space<vmem>>, %arg5: memref<224x224xf32, #tpu.memory_space<vmem>>) attributes {dimension_semantics = [#tpu.dimension_semantics<arbitrary>, #tpu.dimension_semantics<arbitrary>], iteration_bounds = array<i64: 8, 3>, scalar_prefetch = 0 : i64, scratch_operands = 1 : i64, tpu.core_type = #tpu.core_type<tc>, window_params = [{transform_indices = @transform_0, window_bounds = array<i64: 1, 32, 224, 224>}, {transform_indices = @transform_1, window_bounds = array<i64: 1, 1, 224>}, {transform_indices = @transform_2, window_bounds = array<i64: 1, 32, 224, 224>}]} {
    %eq3A = arith.constant 0 : i32
    %eq3A_0 = arith.cmpi eq, %arg1, %eq3A : i32
    %convert_element_type3A = arith.extui %eq3A_0 : i1 to i32
    %cond3A = arith.constant 0 : i32
    %cond3A_1 = arith.cmpi ne, %convert_element_type3A, %cond3A : i32
    scf.if %cond3A_1 {
      %get3A_14 = arith.constant 0 : index
      %get3A_15 = arith.constant 0 : index
      %get3A_16 = arith.constant 0 : index
      %get3A_17 = vector.load %arg3[%get3A_14, %get3A_15, %get3A_16] : memref<1x1x224xf32, #tpu.memory_space<vmem>>, vector<1x1x224xf32>
      %get3A_18 = vector.shape_cast %get3A_17 : vector<1x1x224xf32> to vector<224xf32>
      %iota3A = tpu.iota {dimensions = array<i32: 1>} : vector<224x224xi32>
      %iota3A_19 = tpu.iota {dimensions = array<i32: 1>} : vector<1x224xi32>
      %iota3A_20 = vector.shape_cast %iota3A_19 : vector<1x224xi32> to vector<224xi32>
      %lt3A = arith.constant 196 : i32
      %lt3A_21 = vector.broadcast %lt3A : i32 to vector<224xi32>
      %lt3A_22 = arith.cmpi slt, %iota3A_20, %lt3A_21 : vector<224xi32>
      %jit3A = arith.constant 0.000000e+00 : f32
      %broadcast_in_dim3A_23 = vector.broadcast %jit3A : f32 to vector<224xf32>
      %select_n3A = arith.select %lt3A_22, %get3A_18, %broadcast_in_dim3A_23 : vector<224xi1>, vector<224xf32>
      %iota3A_24 = tpu.iota {dimensions = array<i32: 0>} : vector<224x224xi32>
      %jit3A_25 = arith.constant 16 : i32
      %div3A = vector.broadcast %jit3A_25 : i32 to vector<224x224xi32>
      %div3A_26 = arith.divsi %iota3A_24, %div3A : vector<224x224xi32>
      %sign3A = arith.constant 0 : i32
      %sign3A_27 = vector.broadcast %sign3A : i32 to vector<224x224xi32>
      %sign3A_28 = arith.cmpi sgt, %iota3A_24, %sign3A_27 : vector<224x224xi32>
      %sign3A_29 = arith.extui %sign3A_28 : vector<224x224xi1> to vector<224x224xi32>
      %sign3A_30 = arith.constant 0 : i32
      %sign3A_31 = vector.broadcast %sign3A_30 : i32 to vector<224x224xi32>
      %sign3A_32 = arith.cmpi slt, %iota3A_24, %sign3A_31 : vector<224x224xi32>
      %sign3A_33 = arith.extui %sign3A_32 : vector<224x224xi1> to vector<224x224xi32>
      %sign3A_34 = arith.subi %sign3A_29, %sign3A_33 : vector<224x224xi32>
      %sign3A_35 = arith.constant 0 : i32
      %sign3A_36 = arith.cmpi sgt, %jit3A_25, %sign3A_35 : i32
      %sign3A_37 = arith.extui %sign3A_36 : i1 to i32
      %sign3A_38 = arith.constant 0 : i32
      %sign3A_39 = arith.cmpi slt, %jit3A_25, %sign3A_38 : i32
      %sign3A_40 = arith.extui %sign3A_39 : i1 to i32
      %sign3A_41 = arith.subi %sign3A_37, %sign3A_40 : i32
      %ne3A = vector.broadcast %sign3A_41 : i32 to vector<224x224xi32>
      %ne3A_42 = arith.cmpi ne, %sign3A_34, %ne3A : vector<224x224xi32>
      %rem3A = vector.broadcast %jit3A_25 : i32 to vector<224x224xi32>
      %rem3A_43 = arith.remsi %iota3A_24, %rem3A : vector<224x224xi32>
      %ne3A_44 = arith.constant 0 : i32
      %ne3A_45 = vector.broadcast %ne3A_44 : i32 to vector<224x224xi32>
      %ne3A_46 = arith.cmpi ne, %rem3A_43, %ne3A_45 : vector<224x224xi32>
      %and3A = arith.andi %ne3A_42, %ne3A_46 : vector<224x224xi1>
      %sub3A = arith.constant 1 : i32
      %sub3A_47 = vector.broadcast %sub3A : i32 to vector<224x224xi32>
      %sub3A_48 = arith.subi %div3A_26, %sub3A_47 : vector<224x224xi32>
      %select_n3A_49 = arith.select %and3A, %sub3A_48, %div3A_26 : vector<224x224xi1>, vector<224x224xi32>
      %jit3A_50 = arith.constant 14 : i32
      %div3A_51 = vector.broadcast %jit3A_50 : i32 to vector<224x224xi32>
      %div3A_52 = arith.divsi %iota3A, %div3A_51 : vector<224x224xi32>
      %sign3A_53 = arith.constant 0 : i32
      %sign3A_54 = vector.broadcast %sign3A_53 : i32 to vector<224x224xi32>
      %sign3A_55 = arith.cmpi sgt, %iota3A, %sign3A_54 : vector<224x224xi32>
      %sign3A_56 = arith.extui %sign3A_55 : vector<224x224xi1> to vector<224x224xi32>
      %sign3A_57 = arith.constant 0 : i32
      %sign3A_58 = vector.broadcast %sign3A_57 : i32 to vector<224x224xi32>
      %sign3A_59 = arith.cmpi slt, %iota3A, %sign3A_58 : vector<224x224xi32>
      %sign3A_60 = arith.extui %sign3A_59 : vector<224x224xi1> to vector<224x224xi32>
      %sign3A_61 = arith.subi %sign3A_56, %sign3A_60 : vector<224x224xi32>
      %sign3A_62 = arith.constant 0 : i32
      %sign3A_63 = arith.cmpi sgt, %jit3A_50, %sign3A_62 : i32
      %sign3A_64 = arith.extui %sign3A_63 : i1 to i32
      %sign3A_65 = arith.constant 0 : i32
      %sign3A_66 = arith.cmpi slt, %jit3A_50, %sign3A_65 : i32
      %sign3A_67 = arith.extui %sign3A_66 : i1 to i32
      %sign3A_68 = arith.subi %sign3A_64, %sign3A_67 : i32
      %ne3A_69 = vector.broadcast %sign3A_68 : i32 to vector<224x224xi32>
      %ne3A_70 = arith.cmpi ne, %sign3A_61, %ne3A_69 : vector<224x224xi32>
      %rem3A_71 = vector.broadcast %jit3A_50 : i32 to vector<224x224xi32>
      %rem3A_72 = arith.remsi %iota3A, %rem3A_71 : vector<224x224xi32>
      %ne3A_73 = arith.constant 0 : i32
      %ne3A_74 = vector.broadcast %ne3A_73 : i32 to vector<224x224xi32>
      %ne3A_75 = arith.cmpi ne, %rem3A_72, %ne3A_74 : vector<224x224xi32>
      %and3A_76 = arith.andi %ne3A_70, %ne3A_75 : vector<224x224xi1>
      %sub3A_77 = arith.constant 1 : i32
      %sub3A_78 = vector.broadcast %sub3A_77 : i32 to vector<224x224xi32>
      %sub3A_79 = arith.subi %div3A_52, %sub3A_78 : vector<224x224xi32>
      %select_n3A_80 = arith.select %and3A_76, %sub3A_79, %div3A_52 : vector<224x224xi1>, vector<224x224xi32>
      %eq3A_81 = arith.cmpi eq, %select_n3A_80, %select_n3A_49 : vector<224x224xi32>
      %convert_element_type3A_82 = arith.extui %eq3A_81 : vector<224x224xi1> to vector<224x224xi32>
      %convert_element_type3A_83 = arith.sitofp %convert_element_type3A_82 : vector<224x224xi32> to vector<224x224xf32>
      %iota3A_84 = tpu.iota {dimensions = array<i32: 0>} : vector<224x224xi32>
      %jit3A_85 = arith.constant 14 : i32
      %div3A_86 = vector.broadcast %jit3A_85 : i32 to vector<224x224xi32>
      %div3A_87 = arith.divsi %iota3A_84, %div3A_86 : vector<224x224xi32>
      %sign3A_88 = arith.constant 0 : i32
      %sign3A_89 = vector.broadcast %sign3A_88 : i32 to vector<224x224xi32>
      %sign3A_90 = arith.cmpi sgt, %iota3A_84, %sign3A_89 : vector<224x224xi32>
      %sign3A_91 = arith.extui %sign3A_90 : vector<224x224xi1> to vector<224x224xi32>
      %sign3A_92 = arith.constant 0 : i32
      %sign3A_93 = vector.broadcast %sign3A_92 : i32 to vector<224x224xi32>
      %sign3A_94 = arith.cmpi slt, %iota3A_84, %sign3A_93 : vector<224x224xi32>
      %sign3A_95 = arith.extui %sign3A_94 : vector<224x224xi1> to vector<224x224xi32>
      %sign3A_96 = arith.subi %sign3A_91, %sign3A_95 : vector<224x224xi32>
      %sign3A_97 = arith.constant 0 : i32
      %sign3A_98 = arith.cmpi sgt, %jit3A_85, %sign3A_97 : i32
      %sign3A_99 = arith.extui %sign3A_98 : i1 to i32
      %sign3A_100 = arith.constant 0 : i32
      %sign3A_101 = arith.cmpi slt, %jit3A_85, %sign3A_100 : i32
      %sign3A_102 = arith.extui %sign3A_101 : i1 to i32
      %sign3A_103 = arith.subi %sign3A_99, %sign3A_102 : i32
      %ne3A_104 = vector.broadcast %sign3A_103 : i32 to vector<224x224xi32>
      %ne3A_105 = arith.cmpi ne, %sign3A_96, %ne3A_104 : vector<224x224xi32>
      %rem3A_106 = vector.broadcast %jit3A_85 : i32 to vector<224x224xi32>
      %rem3A_107 = arith.remsi %iota3A_84, %rem3A_106 : vector<224x224xi32>
      %ne3A_108 = arith.constant 0 : i32
      %ne3A_109 = vector.broadcast %ne3A_108 : i32 to vector<224x224xi32>
      %ne3A_110 = arith.cmpi ne, %rem3A_107, %ne3A_109 : vector<224x224xi32>
      %and3A_111 = arith.andi %ne3A_105, %ne3A_110 : vector<224x224xi1>
      %sub3A_112 = arith.constant 1 : i32
      %sub3A_113 = vector.broadcast %sub3A_112 : i32 to vector<224x224xi32>
      %sub3A_114 = arith.subi %div3A_87, %sub3A_113 : vector<224x224xi32>
      %select_n3A_115 = arith.select %and3A_111, %sub3A_114, %div3A_87 : vector<224x224xi1>, vector<224x224xi32>
      %mul3A_116 = arith.constant 14 : i32
      %mul3A_117 = vector.broadcast %mul3A_116 : i32 to vector<224x224xi32>
      %mul3A_118 = arith.muli %mul3A_117, %select_n3A_115 : vector<224x224xi32>
      %sub3A_119 = arith.subi %iota3A_84, %mul3A_118 : vector<224x224xi32>
      %iota3A_120 = tpu.iota {dimensions = array<i32: 1>} : vector<224x224xi32>
      %jit3A_121 = arith.constant 16 : i32
      %div3A_122 = vector.broadcast %jit3A_121 : i32 to vector<224x224xi32>
      %div3A_123 = arith.divsi %iota3A_120, %div3A_122 : vector<224x224xi32>
      %sign3A_124 = arith.constant 0 : i32
      %sign3A_125 = vector.broadcast %sign3A_124 : i32 to vector<224x224xi32>
      %sign3A_126 = arith.cmpi sgt, %iota3A_120, %sign3A_125 : vector<224x224xi32>
      %sign3A_127 = arith.extui %sign3A_126 : vector<224x224xi1> to vector<224x224xi32>
      %sign3A_128 = arith.constant 0 : i32
      %sign3A_129 = vector.broadcast %sign3A_128 : i32 to vector<224x224xi32>
      %sign3A_130 = arith.cmpi slt, %iota3A_120, %sign3A_129 : vector<224x224xi32>
      %sign3A_131 = arith.extui %sign3A_130 : vector<224x224xi1> to vector<224x224xi32>
      %sign3A_132 = arith.subi %sign3A_127, %sign3A_131 : vector<224x224xi32>
      %sign3A_133 = arith.constant 0 : i32
      %sign3A_134 = arith.cmpi sgt, %jit3A_121, %sign3A_133 : i32
      %sign3A_135 = arith.extui %sign3A_134 : i1 to i32
      %sign3A_136 = arith.constant 0 : i32
      %sign3A_137 = arith.cmpi slt, %jit3A_121, %sign3A_136 : i32
      %sign3A_138 = arith.extui %sign3A_137 : i1 to i32
      %sign3A_139 = arith.subi %sign3A_135, %sign3A_138 : i32
      %ne3A_140 = vector.broadcast %sign3A_139 : i32 to vector<224x224xi32>
      %ne3A_141 = arith.cmpi ne, %sign3A_132, %ne3A_140 : vector<224x224xi32>
      %rem3A_142 = vector.broadcast %jit3A_121 : i32 to vector<224x224xi32>
      %rem3A_143 = arith.remsi %iota3A_120, %rem3A_142 : vector<224x224xi32>
      %ne3A_144 = arith.constant 0 : i32
      %ne3A_145 = vector.broadcast %ne3A_144 : i32 to vector<224x224xi32>
      %ne3A_146 = arith.cmpi ne, %rem3A_143, %ne3A_145 : vector<224x224xi32>
      %and3A_147 = arith.andi %ne3A_141, %ne3A_146 : vector<224x224xi1>
      %sub3A_148 = arith.constant 1 : i32
      %sub3A_149 = vector.broadcast %sub3A_148 : i32 to vector<224x224xi32>
      %sub3A_150 = arith.subi %div3A_123, %sub3A_149 : vector<224x224xi32>
      %select_n3A_151 = arith.select %and3A_147, %sub3A_150, %div3A_123 : vector<224x224xi1>, vector<224x224xi32>
      %eq3A_152 = arith.cmpi eq, %sub3A_119, %select_n3A_151 : vector<224x224xi32>
      %convert_element_type3A_153 = arith.extui %eq3A_152 : vector<224x224xi1> to vector<224x224xi32>
      %convert_element_type3A_154 = arith.sitofp %convert_element_type3A_153 : vector<224x224xi32> to vector<224x224xf32>
      %broadcast_in_dim3A_155 = vector.shape_cast %select_n3A : vector<224xf32> to vector<1x224xf32>
      %mul3A_156 = vector.broadcast %broadcast_in_dim3A_155 : vector<1x224xf32> to vector<224x224xf32>
      %mul3A_157 = arith.mulf %convert_element_type3A_83, %mul3A_156 : vector<224x224xf32>
      %dot_general3A = arith.constant dense<0.000000e+00> : vector<224x224xf32>
      %dot_general3A_158 = tpu.matmul %mul3A_157, %convert_element_type3A_154, %dot_general3A {dimension_numbers = #tpu.dot_dimension_numbers<[1], [0], [0], [1], [0, 0, 1, 1], [], []>, transpose_lhs_hint = false} : vector<224x224xf32>, vector<224x224xf32>, vector<224x224xf32> -> vector<224x224xf32>
      %swap3A_159 = arith.constant 0 : index
      %swap3A_160 = arith.constant 0 : index
      %swap3A_161 = vector.load %arg5[%swap3A_159, %swap3A_160] : memref<224x224xf32, #tpu.memory_space<vmem>>, vector<224x224xf32>
      tpu.vector_store %arg5[%swap3A_159, %swap3A_160], %dot_general3A_158 {strides = array<i32>} : memref<224x224xf32, #tpu.memory_space<vmem>>, vector<224x224xf32>,
    } else {
    }
    %get3A = arith.constant 0 : index
    %get3A_2 = arith.constant 0 : index
    %get3A_3 = arith.constant 0 : index
    %get3A_4 = arith.constant 0 : index
    %get3A_5 = vector.load %arg2[%get3A, %get3A_2, %get3A_3, %get3A_4] : memref<1x32x224x224xf32, #tpu.memory_space<vmem>>, vector<1x32x224x224xf32>
    %get3A_6 = arith.constant 0 : index
    %get3A_7 = arith.constant 0 : index
    %get3A_8 = vector.load %arg5[%get3A_6, %get3A_7] : memref<224x224xf32, #tpu.memory_space<vmem>>, vector<224x224xf32>
    %broadcast_in_dim3A = vector.shape_cast %get3A_8 : vector<224x224xf32> to vector<1x1x224x224xf32>
    %mul3A = vector.broadcast %broadcast_in_dim3A : vector<1x1x224x224xf32> to vector<1x32x224x224xf32>
    %mul3A_9 = arith.mulf %get3A_5, %mul3A : vector<1x32x224x224xf32>
    %swap3A = arith.constant 0 : index
    %swap3A_10 = arith.constant 0 : index
    %swap3A_11 = arith.constant 0 : index
    %swap3A_12 = arith.constant 0 : index
    %swap3A_13 = vector.load %arg4[%swap3A, %swap3A_10, %swap3A_11, %swap3A_12] : memref<1x32x224x224xf32, #tpu.memory_space<vmem>>, vector<1x32x224x224xf32>
    tpu.vector_store %arg4[%swap3A, %swap3A_10, %swap3A_11, %swap3A_12], %mul3A_9 {strides = array<i32>} : memref<1x32x224x224xf32, #tpu.memory_space<vmem>>, vector<1x32x224x224xf32>,
    return
  }
  func.func @transform_0(%arg0: i32, %arg1: i32) -> (i32, i32, i32, i32) {
    %c0_i32 = arith.constant 0 : i32
    %c0_i32_0 = arith.constant 0 : i32
    %c0_i32_1 = arith.constant 0 : i32
    return %arg0, %arg1, %c0_i32, %c0_i32_0 : i32, i32, i32, i32
  }
  func.func @transform_1(%arg0: i32, %arg1: i32) -> (i32, i32, i32) {
    %c0_i32 = arith.constant 0 : i32
    %c0_i32_0 = arith.constant 0 : i32
    %c0_i32_1 = arith.constant 0 : i32
    return %arg0, %c0_i32, %c0_i32_0 : i32, i32, i32
  }
  func.func @transform_2(%arg0: i32, %arg1: i32) -> (i32, i32, i32, i32) {
    %c0_i32 = arith.constant 0 : i32
    %c0_i32_0 = arith.constant 0 : i32
    %c0_i32_1 = arith.constant 0 : i32
    return %arg0, %arg1, %c0_i32, %c0_i32_0 : i32, i32, i32, i32
  }
}

</mosaic_0001>

<sc_bundles>
// kernel: kernel.4.cloned.1.call-start
scs
__scs_entry_jumppad:
0x0: {  	(pc) =	sbr.rel $0x88, $3  }
0x1: {  	(tag) =	ssettag $0x0;
	lr =	simm.s32 $0x1  }
0x2: {  	[smem:$0x3F9E] =	sst lr;
	_ =	strace $0xD0000000  }
0x3: {  	_ = 	snop  }
0x4: {  	_ = 	snop  }
0x5: {  	_ = 	snop  }
0x6: {  	_ = 	snop  }
0x7: {  	_ = 	snop  }
__scs_overlays_trampoline_lowered:
0x8: {  	[smem:$0x3FAD] =	sst s0  }
0x9: {  	[smem:$0x3FAE] =	sst s1  }
0xa: {  	[smem:$0x3FAF] =	sst s2  }
0xb: {  	[smem:$0x3FB0] =	sst s3  }
0xc: {  	[smem:$0x3FB1] =	sst s4  }
0xd: {  	[smem:$0x3FB2] =	sst s5  }
0xe: {  	[smem:$0x3FB3] =	sst s6  }
0xf: {  	[smem:$0x3FB4] =	sst s7  }
0x10: {  	[smem:$0x3FB5] =	sst s8  }
0x11: {  	[smem:$0x3FB6] =	sst s9;
	s0 =	simm.s32 @!p0 $0x0  }
0x12: {  	s1 =	sld [smem:$0x3F9C];
	s0 =	simm.s32 @p0 $0x1  }
0x13: {  	[smem:$0x3FB7] =	sst s0;
	s0 =	simm.s32 @!p1 $0x0  }
0x14: {  	s2 =	sld [smem:$0x3F9B];
	s0 =	simm.s32 @p1 $0x1  }
0x15: {  	[smem:$0x3FB8] =	sst s0;
	s0 =	simm.s32 @!p2 $0x0  }
0x16: {  	s3 =	sld [smem:$0x3FDB];
	s0 =	simm.s32 @p2 $0x1  }
0x17: {  	s4 =	simm.s32 $0x1BF5;
	[smem:$0x3FBA] =	sst s0  }
0x18: {  	s0 =	sld [smem:$0x3F9D];
	_ =	swait.ge [sflag:s4], $0x0  }
0x19: {  	s7 =	sld [smem:$0x3F9E]  }
0x1a: {  	s8 =	sadd.s32 $0xFFFFE003, lr  }
0x1b: {  	s9 =	sadd.s32 $0xFFFFFEF7, lr;
	s5 =	simm.s32 $0xFFFFFFFF;
	p2 =	slt.u32 s8, $0xFFFFF086  }
0x1c: {  	p1 =	slt.u32 s9, $0xF7A;
	s5 =	simm.s32 @!p2 $0x0  }
0x1d: {  	s5 =	simm.s32 @p1 $0x1;
	p0 =	seq.s32 s7, s2  }
0x1e: {  	s7 =	smul.u32 @!p0 $0xF7A, s2;
	p2 =	seq.s32 @!p0 s5, $0x0  }
0x1f: {  	s9 =	smul.u32 $0xF7A, s1;
	s8 =	simm.s32 @!p0 $0x1BF5;
	p2 =	por !p2, p0  }
0x20: {  	[sflag:s8] =	ssyncset.s32 @!p0 $0xFFFFF086;
	s6 =	sadd.s32 @!p0 s3, s7;
	s7 =	simm.s32 @!p0 $0x108  }
0x21: {  	s3 =	sadd.s32 s3, s9;
	s6 =	sadd.s32 @!p0 $0x88, s6;
	s7 =	simm.s32 @p2 $0x1082  }
0x22: {  	[simem:s7], [sflag:s8] =	dma.local @!p0 [hbm:s6], $0xF7A  }
0x23: {  	s9 =	sor.u32 $0xD0000000, s2;
	s6 =	simm.s32 $0x108;
	_ =	swait.ge @!p0 [sflag:s8], $0x0  }
0x24: {  	s3 =	sadd.s32 $0x88, s3;
	s6 =	simm.s32 @!p1 $0x1082;
	[sflag:s4] =	ssyncset.s32 $0xFFFFF086  }
0x25: {  	[simem:s6], [sflag:s4] =	dma.local [hbm:s3], $0xF7A  }
0x26: {  	[smem:$0x3F9E] =	sst s1;
	(tag) =	ssettag s2;
	_ =	strace s9  }
0x27: {  	s1 =	sld [smem:$0x3FAE]  }
0x28: {  	s2 =	sld [smem:$0x3FAF]  }
0x29: {  	s4 =	sld [smem:$0x3FB1]  }
0x2a: {  	p0 =	seq.s32 s5, $0x0;
	s5 =	sld [smem:$0x3FB2]  }
0x2b: {  	s6 =	sld [smem:$0x3FB3]  }
0x2c: {  	s7 =	sld [smem:$0x3FB4]  }
0x2d: {  	s3 =	simm.s32 $0x108;
	s8 =	sld [smem:$0x3FB5]  }
0x2e: {  	s3 =	simm.s32 @!p0 $0x1082;
	s9 =	sld [smem:$0x3FB6]  }
0x2f: {  	lr =	sadd.s32 s0, s3;
	s0 =	sld [smem:$0x3FAD]  }
0x30: {  	s3 =	sld [smem:$0x3FB0]  }
0x31: {  	[smem:$0x3FB9] =	sst s10  }
0x32: {  	s10 =	sld [smem:$0x3FB7];
	_ =	sdelay $0x3  }
0x33: {  	p0 =	seq.s32 s10, $0x1;
	s10 =	sld [smem:$0x3FB9];
	_ =	sdelay $0x3  }
0x34: {  	[smem:$0x3FB9] =	sst s10  }
0x35: {  	s10 =	sld [smem:$0x3FB8];
	_ =	sdelay $0x3  }
0x36: {  	p1 =	seq.s32 s10, $0x1;
	s10 =	sld [smem:$0x3FB9];
	_ =	sdelay $0x3  }
0x37: {  	[smem:$0x3FB9] =	sst s10  }
0x38: {  	s10 =	sld [smem:$0x3FBA]  }
0x39: {  	_ = 	snop;
	(pc) =	sbr.ind lr, $3  }
0x3a: {  	_ = 	snop  }
0x3b: {  	_ = 	snop  }
0x3c: {  	p2 =	seq.s32 s10, $0x1;
	s10 =	sld [smem:$0x3FB9]  }
0x3d: {  	_ =	shalt  }
0x3e: {  	_ =	shalt  }
0x3f: {  	_ =	shalt  }
0x40: {  	_ =	shalt  }
0x41: {  	_ =	shalt  }
0x42: {  	_ =	shalt  }
0x43: {  	_ =	shalt  }
0x44: {  	_ =	shalt  }
0x45: {  	_ =	shalt  }
0x46: {  	_ =	shalt  }
0x47: {  	_ =	shalt  }
0x48: {  	_ =	shalt  }
0x49: {  	_ =	shalt  }
0x4a: {  	_ =	shalt  }
0x4b: {  	_ =	shalt  }
0x4c: {  	_ =	shalt  }
0x4d: {  	_ =	shalt  }
0x4e: {  	_ =	shalt  }
0x4f: {  	_ =	shalt  }
0x50: {  	_ =	shalt  }
0x51: {  	_ =	shalt  }
0x52: {  	_ =	shalt  }
0x53: {  	_ =	shalt  }
0x54: {  	_ =	shalt  }
0x55: {  	_ =	shalt  }
0x56: {  	_ =	shalt  }
0x57: {  	_ =	shalt  }
0x58: {  	_ =	shalt  }
0x59: {  	_ =	shalt  }
0x5a: {  	_ =	shalt  }
0x5b: {  	_ =	shalt  }
0x5c: {  	_ =	shalt  }
0x5d: {  	_ =	shalt  }
0x5e: {  	_ =	shalt  }
0x5f: {  	_ =	shalt  }
0x60: {  	_ =	shalt  }
0x61: {  	_ =	shalt  }
0x62: {  	_ =	shalt  }
0x63: {  	_ =	shalt  }
0x64: {  	_ =	shalt  }
0x65: {  	_ =	shalt  }
0x66: {  	_ =	shalt  }
0x67: {  	_ =	shalt  }
0x68: {  	_ =	shalt  }
0x69: {  	_ =	shalt  }
0x6a: {  	_ =	shalt  }
0x6b: {  	_ =	shalt  }
0x6c: {  	_ =	shalt  }
0x6d: {  	_ =	shalt  }
0x6e: {  	_ =	shalt  }
0x6f: {  	_ =	shalt  }
0x70: {  	_ =	shalt  }
0x71: {  	_ =	shalt  }
0x72: {  	_ =	shalt  }
0x73: {  	_ =	shalt  }
0x74: {  	_ =	shalt  }
0x75: {  	_ =	shalt  }
0x76: {  	_ =	shalt  }
0x77: {  	_ =	shalt  }
0x78: {  	_ =	shalt  }
0x79: {  	_ =	shalt  }
0x7a: {  	_ =	shalt  }
0x7b: {  	_ =	shalt  }
0x7c: {  	_ =	shalt  }
0x7d: {  	_ =	shalt  }
0x7e: {  	_ =	shalt  }
0x7f: {  	_ =	shalt  }
0x80: {  	_ =	shalt  }
0x81: {  	_ =	shalt  }
0x82: {  	_ =	shalt  }
0x83: {  	_ =	shalt  }
0x84: {  	_ =	shalt  }
0x85: {  	_ =	shalt  }
0x86: {  	_ =	shalt  }
0x87: {  	_ =	shalt  }
.Lfunc_end0:
.L_simem_size_0:
called_computation_lowered:
.L_overlay_start_0:
0x88: {  	s2 =	sld [smem:$0x3FD9]  }
0x89: {  	s3 =	sld [smem:$0x3FFE];
	_ =	sdelay $0x1  }
0x8a: {  	s1 =	srdreg.scid  }
0x8b: {  	s0 =	sand.u32 $0x1, s1  }
0x8c: {  	s17 =	sshll.u32 s0, $0xA;
	s2 =	sadd.s32 s3, s2  }
0x8d: {  	s2 =	sadd.s32 s2, s17  }
0x8e: {  	[smem:$0x3FC5] =	sst s2  }
0x8f: {  	_ = 	snop  }
0x90: {  	s2 =	sld [smem:$0x3FD0];
	(tm) =	ssettm $0x1  }
0x91: {  	s18 =	sld [smem:$0x3FFB];
	_ =	sdelay $0x3  }
0x92: {  	_ =	strace s18  }
0x93: {  	s3 =	sld [smem:$0x3FFC];
	_ =	sdelay $0x3  }
0x94: {  	_ =	strace s3  }
0x95: {  	s3 =	sld [smem:$0x3FFD];
	_ =	sdelay $0x3  }
0x96: {  	_ =	strace s3  }
0x97: {  	_ =	strace $0x8FFFFFFF  }
0x98: {  	s19 =	sld [smem:$0x3FDB];
	_ =	sdelay $0x1  }
0x99: {  	s4 =	simm.s32 $_scs_section_size  }
0x9a: {  	s5 =	simm.s32 $_size__tile_overlayer_lowered;
	s6 =	simm.s32 $_tile_overlayer_lowered  }
0x9b: {  	s22 =	simm.s32 $0x1BFF;
	s21 =	sshll.u32 s6, $0x1;
	s3 =	sadd.s32 s4, s19  }
0x9c: {  	s7 =	simm.s32 $0x0;
	s20 =	sshll.u32 s5, $0x1;
	s5 =	sadd.s32 s21, s3  }
0x9d: {  	[timem:s7], [sflag:s22] =	dma.local [hbm:s5], s20  }
0x9e: {  	_ =	swait.ge [sflag:s22], s20  }
0x9f: {  	s4 =	ssub.s32 $0x0, s20;
	[sflag:s22] =	ssyncset.done $0x0  }
0xa0: {  	[sflag:s22] =	ssyncadd.s32 s4;
	_ =	sdelay $0x1  }
0xa1: {  	s23 =	simm.s32 $0x1B8B  }
0xa2: {  	_ =	swait.ge [sflag:s23], $0x1  }
0xa3: {  	[sflag:s23] =	ssyncset.done $0x0  }
0xa4: {  	s25 =	simm.s32 $0x1B8E;
	s24 =	sld [smem:$0x3FFE];
	[sflag:s23] =	ssyncadd.s32 $0xFFFFFFFF  }
0xa5: {  	s26 =	simm.s32 $execute0_lowered;
	[smem:$0x3FD2] =	sst s25  }
0xa6: {  	s5 =	sshll.u32 s26, $0x1;
	_ =	strace $0x80000046;
	[dreg:$0x1] =	wrdreg $0xFFFFFFFF  }
0xa7: {  	s28 =	simm.s32 $_size_execute0_lowered;
	s3 =	sadd.s32 s3, s5;
	[dreg:$0x0] =	wrdreg $0x0  }
0xa8: {  	s5 =	sshll.u32 s28, $0x1;
	[dreg:$0x2] =	wrdreg s3  }
0xa9: {  	[dreg:$0x3] =	wrdreg s5  }
0xaa: {  	[dreg:$0x4] =	wrdreg $0xC0  }
0xab: {  	_ =	task [dreg:s7], $0x5FFFF  }
0xac: {  	[dreg:$0x1] =	wrdreg $0xFFFFFFFF  }
0xad: {  	[dreg:$0x0] =	wrdreg $0x60  }
0xae: {  	[dreg:$0x2] =	wrdreg s2  }
0xaf: {  	[dreg:$0x3] =	wrdreg s24  }
0xb0: {  	[dreg:$0x4] =	wrdreg $0x9  }
0xb1: {  	_ =	task.clear_ibuf [dreg:s7], $0x5FFFF;
	_ =	strace $0x90000046  }
0xb2: {  	s29 =	simm.s32 $0x9;
	_ =	strace $0x80000048  }
0xb3: {  	_ =	swait.ge [sflag:s29], $0x1  }
0xb4: {  	[sflag:s29] =	ssyncadd.s32 $0xFFFFFFFF  }
0xb5: {  	_ =	strace $0x90000048  }
0xb6: {  	_ =	sfence  }
0xb7: {  	s30 =	sld [smem:$0x0];
	_ =	sdelay $0x2  }
0xb8: {  	s31 =	sshll.u32 s1, $0xD;
	s1 =	sshrl.u32 s1, $0x2  }
0xb9: {  	s3 =	sand.u32 $0x4000, s31;
	s1 =	sadd.s32 s1, s30  }
0xba: {  	s0 =	sor.u32 s3, s0;
	s1 =	sshll.u32 s1, $0x11  }
0xbb: {  	s0 =	sor.u32 s1, s0  }
0xbc: {  	s0 =	sadd.s32 $0x8F2B, s0  }
0xbd: {  	[sflag:s0] =	ssyncadd.remote.s32 $0x1  }
0xbe: {  	_ =	sfence.sel $0xFFFF  }
0xbf: {  	[dreg:$0x0] =	wrdreg $0xFFFFFFFF;
	(pc) =	sbr.abs _section_cstart, $3  }
0xc0: {  	[dreg:$0x1] =	wrdreg $0xFFFFFFFF  }
0xc1: {  	_ =	task.clear_ibuf [dreg:s7], $0x2FFFF;
	_ =	strace $0x9FFFFFFF  }
0xc2: {  	(tm) =	ssettm $0x7FFFFFFF  }
0xc3: {  	_ =	shalt  }
tec
execute0_lowered:
.L_overlay_start_1:
0x0: {  	(tag) =	ssettag $0x1  }
0x1: {  	s3 =	rddreg [dreg:$0x0]  }
0x2: {  	s4 =	rddreg [dreg:$0x1]  }
0x3: {  	s0 =	rddreg [dreg:$0x2]  }
0x4: {  	s1 =	stileid.u32;
	s2 =	simm.s32 $0x0;
	s6 =	srdreg.scid  }
0x5: {  	s5 =	sshrl.u32 s1, $0x1;
	[smem:$0x7FF] =	sst s2;
	s6 =	sand.u32 $0x1, s6  }
0x6: {  	s9 =	sshll.u32 s1, $0x1;
	s5 =	smul.u32 $0xE0, s5;
	_ =	strace $0x80000047  }
0x7: {  	s7 =	ssub.s32 $0x2, s6;
	s31 =	sand.u32 $0x2, s9;
	s9 =	simm.s32 $0x1  }
0x8: {  	s8 =	sshrl.u32 s7, $0x1;
	s11 =	sor.u32 s6, s31;
	s5 =	sshrl.u32 s5, $0x3  }
0x9: {  	s8 =	ssub.s32 s7, s8;
	p3 =	sgt.s32 s11, $0x1;
	s10 =	sadd.s32 s5, s4  }
0xa: {  	s3 =	sadd.s32 s3, s5;
	s8 =	smax.u32 s8, $0x1;
	p1 =	seq.s32 @p3 s11, $0x2  }
0xb: {  	p4 =	seq.s32 @!p3 s11, $0x0;
	s4 =	sadd.s32 $0x614, s10;
	s5 =	sadd.s32 $0x60E, s10  }
0xc: {  	s6 =	sadd.s32 $0x608, s10;
	s7 =	sadd.s32 $0x600, s10;
	p0 =	por !p1, !p3  }
0xd: {  	v0 =	vimm.f32 $0.0e+00;
	p1 =	por p1, !p3;
	p2 =	por !p4, p3;
	p3 =	por p4, p3  }
.LBB2_1:
0xe: {  	[tilespmem:s2], [sflag:$0x1] =	stream.linear.gather [hbm4b:s3+s2], $0xE0, $0x38;
	[tilespmem:$0x180] =	vst v63  }
0xf: {  	_ =	swait.ge [sflag:s9], $0xE0  }
0x10: {  	[sflag:s9] =	ssyncset.done $0x0  }
0x11: {  	[sflag:s9] =	ssyncadd.s32 $0xFFFFFF20  }
0x12: {  	v1 =	vld [tilespmem:$0xD0];
	_ =	sdelay $0x4  }
0x13: {  	vm0 =	vle.f32 v1, $0.0e+00  }
0x14: {  	v1 =	vsel vm0, $0x3F800000, v0  }
0x15: {  	[tilespmem:$0x100] =	vst v1  }
0x16: {  	[tilespmem:$0x110] =	vst v1  }
0x17: {  	s10 =	simm.s32 @!p0 $0x0;
	s11 =	simm.s32 @!p0 $0x100;
	[tilespmem:$0x120] =	vst v1  }
0x18: {  	[hbm4b:s5+s10] =	stream.linear.scatter @!p0 [tilespmem:s11], [sflag:$0x1], $0x30, $0x38;
	[tilespmem:$0x180] =	vst v63  }
0x19: {  	s10 =	simm.s32 @!p0 $0x1  }
0x1a: {  	_ =	swait.ge @!p0 [sflag:s10], $0x30  }
0x1b: {  	[sflag:s10] =	ssyncset.done @!p0 $0x0  }
0x1c: {  	s11 =	simm.s32 @!p1 $0x100;
	[sflag:s10] =	ssyncadd.s32 @!p0 $0xFFFFFFD0;
	s10 =	simm.s32 @!p1 $0x0  }
0x1d: {  	[hbm4b:s4+s10] =	stream.linear.scatter @!p1 [tilespmem:s11], [sflag:$0x1], $0x30, $0x38;
	[tilespmem:$0x180] =	vst v63  }
0x1e: {  	s10 =	simm.s32 @!p1 $0x1  }
0x1f: {  	_ =	swait.ge @!p1 [sflag:s10], $0x30  }
0x20: {  	[sflag:s10] =	ssyncset.done @!p1 $0x0  }
0x21: {  	[sflag:s10] =	ssyncadd.s32 @!p1 $0xFFFFFFD0  }
0x22: {  	s11 =	simm.s32 @!p2 $0x100;
	s10 =	simm.s32 @!p2 $0x0;
	[tilespmem:$0x130] =	vst @!p2 v1  }
0x23: {  	[hbm4b:s7+s10] =	stream.linear.scatter @!p2 [tilespmem:s11], [sflag:$0x1], $0x40, $0x38;
	[tilespmem:$0x180] =	vst v63  }
0x24: {  	s10 =	simm.s32 @!p2 $0x1  }
0x25: {  	s8 =	sadd.s32 $0xFFFFFFFF, s8;
	_ =	swait.ge @!p2 [sflag:s10], $0x40  }
0x26: {  	p4 =	sne.s32 s8, $0x0;
	[sflag:s10] =	ssyncset.done @!p2 $0x0  }
0x27: {  	s11 =	simm.s32 @!p3 $0x100;
	[sflag:s10] =	ssyncadd.s32 @!p2 $0xFFFFFFC0;
	s10 =	simm.s32 @!p3 $0x0  }
0x28: {  	[hbm4b:s6+s10] =	stream.linear.scatter @!p3 [tilespmem:s11], [sflag:$0x1], $0x30, $0x38;
	[tilespmem:$0x180] =	vst v63  }
.Ltmp0:
0x29: {  	_ = 	snop;
	(pc) =	sbr.rel @p4 .LBB2_1-.Ltmp0, $4  }
0x2a: {  	s10 =	simm.s32 @!p3 $0x1  }
0x2b: {  	_ =	swait.ge @!p3 [sflag:s10], $0x30  }
0x2c: {  	[sflag:s10] =	ssyncset.done @!p3 $0x0  }
0x2d: {  	[sflag:s10] =	ssyncadd.s32 @!p3 $0xFFFFFFD0  }
0x2e: {  	_ =	sfence.sel $0x180000  }
0x2f: {  	[bflag:$0x0] =	sbarrier.arrive $0xFFFF  }
0x30: {  	p0 =	sne.s32 s1, $0x0;
	_ =	strace $0x90000047  }
0x31: {  	s0 =	sadd.s32 @!p0 $0x100000, s0;
	[bflag:$0x2] =	sbarrier.arrive $0xFFFF  }
0x32: {  	[sflag:s0] =	ssyncadd.tile.s32 @!p0 $0x1;
	_ =	shalt  }
.Lfunc_end2:
_tile_overlayer_lowered:
.L_overlay_start_2:
0x33: {  	(tag) =	ssettag $0x2  }
0x34: {  	s0 =	rddreg [dreg:$0x0];
	s2 =	stileid.u32  }
0x35: {  	s1 =	rddreg [dreg:$0x1];
	p0 =	sne.s32 s2, $0x0  }
0x36: {  	s3 =	rddreg [dreg:$0x2];
	[bflag:$0x3] =	sbarrier.arrive $0xFFFF;
	s2 =	simm.s32 @!p0 $0x1C01  }
0x37: {  	[timem:s3], [sflag:s2] =	dma.local @!p0 [hbm:s0], s1  }
0x38: {  	s0 =	simm.s32 @!p0 $0x1  }
0x39: {  	_ =	swait.ge @!p0 [sflag:s0], s1  }
0x3a: {  	s1 =	ssub.s32 @!p0 $0x0, s1;
	[sflag:s0] =	ssyncset.done @!p0 $0x0  }
0x3b: {  	[sflag:s0] =	ssyncadd.s32 @!p0 s1  }
0x3c: {  	[bflag:$0x3] =	sbarrier.arrive $0xFFFF  }
0x3d: {  	_ =	shalt  }

</sc_bundles>
